<compile_context>
chip_gen: v7x
topology: tpu7x:2x2x1
jax: 0.10.2.dev20260603
libtpu: 0.0.44.dev20260713+nightly
codegen_flags: <defaults>
</compile_context>

<pallas_src>
import functools

import jax
import jax.numpy as jnp
from jax import lax
from jax.experimental import pallas as pl
from jax.experimental.pallas import tpu as pltpu
from jax.experimental.pallas import tpu_sc as plsc

B = 16384
D = 64
NC = 2
NS = 16
NW = NC * NS
BPW = B // NW
CHUNK = 256
NCHUNK = BPW // CHUNK

_mesh = plsc.VectorSubcoreMesh(core_axis_name="c", subcore_axis_name="s")


@functools.partial(
    pl.kernel,
    mesh=_mesh,
    out_type=jax.ShapeDtypeStruct((B, 4 * D), jnp.float32),
    compiler_params=pltpu.CompilerParams(use_tc_tiling_on_sc=False),
    scratch_types=[
        pltpu.VMEM((BPW,), jnp.int32),
        pltpu.VMEM((BPW,), jnp.int32),
        pltpu.VMEM((CHUNK, D), jnp.float32),
        pltpu.VMEM((CHUNK, D), jnp.float32),
        pltpu.VMEM((CHUNK, D), jnp.float32),
        pltpu.VMEM((CHUNK, D), jnp.float32),
        pltpu.SemaphoreType.DMA,
        pltpu.SemaphoreType.DMA,
        pltpu.SemaphoreType.DMA,
        pltpu.SemaphoreType.DMA,
    ],
)
def _gas_concat(adj4_hbm, adj5_hbm, cv0_hbm, cv1_hbm, cv2_hbm, cv3_hbm,
                out_hbm, idx5_v, idx4_v, ri_v, ru_v, c0_v, c3_v,
                sem_ri, sem_ru, sem_c0, sem_c3):
    wid = lax.axis_index("s") * NC + lax.axis_index("c")
    base = wid * BPW

    pltpu.sync_copy(adj5_hbm.at[pl.ds(base, BPW)], idx5_v)
    pltpu.sync_copy(adj4_hbm.at[pl.ds(base, BPW)], idx4_v)

    for c in range(NCHUNK):
        rows = pl.ds(base + c * CHUNK, CHUNK)
        idx_sl = pl.ds(c * CHUNK, CHUNK)
        ri_cp = pltpu.async_copy(cv2_hbm.at[idx5_v.at[idx_sl]], ri_v, sem_ri)
        ru_cp = pltpu.async_copy(cv1_hbm.at[idx4_v.at[idx_sl]], ru_v, sem_ru)
        c0_cp = pltpu.async_copy(cv0_hbm.at[rows], c0_v, sem_c0)
        c3_cp = pltpu.async_copy(cv3_hbm.at[rows], c3_v, sem_c3)
        ri_cp.wait()
        pltpu.sync_copy(ri_v, out_hbm.at[rows, pl.ds(0, D)])
        c0_cp.wait()
        pltpu.sync_copy(c0_v, out_hbm.at[rows, pl.ds(D, D)])
        ru_cp.wait()
        pltpu.sync_copy(ru_v, out_hbm.at[rows, pl.ds(2 * D, D)])
        c3_cp.wait()
        pltpu.sync_copy(c3_v, out_hbm.at[rows, pl.ds(3 * D, D)])


def kernel(adj0, adj1, adj2, adj3, adj4, adj5, cv0, cv1, cv2, cv3):
    return _gas_concat(adj4, adj5, cv0, cv1, cv2, cv3)

# --- scband reference (transcript-rebuilt; emitter-appended) ---
"""Pipeline reference for scband-gasconcatenation-31396210934418 (READ-ONLY COPY).

The authoritative reference and input builder live on the scoring server;
editing this copy changes nothing except your own understanding.
"""

import jax, jax.numpy as jnp
import numpy as np

B = 16384
V = 100000
D = 64

def setup_inputs(seed: int = 0) -> dict:
    key = jax.random.key(seed)
    ks = jax.random.split(key, 10)
    inp = {}
    for i in range(6):
        inp[f"adj{i}"] = jax.random.randint(ks[i], (B,), 0, V, dtype=jnp.int32)
    inp["cv0"] = jax.random.normal(ks[6], (B, D), dtype=jnp.float32)
    inp["cv1"] = jax.random.normal(ks[7], (V, D), dtype=jnp.float32)
    inp["cv2"] = jax.random.normal(ks[8], (V, D), dtype=jnp.float32)
    inp["cv3"] = jax.random.normal(ks[9], (B, D), dtype=jnp.float32)
    return inp

def reference(adj0, adj1, adj2, adj3, adj4, adj5, cv0, cv1, cv2, cv3):
    # GASConcatenation forward:
    # ri = embedding_lookup(concat_vecs[2], adj_list[5])
    # ru = embedding_lookup(concat_vecs[1], adj_list[4])
    # out = concat([ri, concat_vecs[0], ru, concat_vecs[3]], axis=1)
    ri = jnp.take(cv2, adj5.astype(jnp.int32), axis=0)
    ru = jnp.take(cv1, adj4.astype(jnp.int32), axis=0)
    return jnp.concatenate([ri, cv0, ru, cv3], axis=1)

if __name__ == "__main__":
    import jax
    _d = setup_inputs()
    print(jax.jit(kernel)(*tuple(_d.values())))

</pallas_src>

<mosaic_0001>
#map = affine_map<(d0, d1) -> (0)>
#map1 = affine_map<(d0, d1) -> (0, 0)>
module attributes {stable_mosaic.version = 14 : i64} {
  func.func @_gas_concat(%arg0: i32, %arg1: i32, %arg2: memref<16384xi32, #tpu.memory_space<hbm>>, %arg3: memref<16384xi32, #tpu.memory_space<hbm>>, %arg4: memref<16384x64xf32, #tpu.memory_space<hbm>>, %arg5: memref<100000x64xf32, #tpu.memory_space<hbm>>, %arg6: memref<100000x64xf32, #tpu.memory_space<hbm>>, %arg7: memref<16384x64xf32, #tpu.memory_space<hbm>>, %arg8: memref<16384x256xf32, #tpu.memory_space<hbm>>, %arg9: memref<512xi32, #tpu.memory_space<vmem>>, %arg10: memref<512xi32, #tpu.memory_space<vmem>>, %arg11: memref<256x64xf32, #tpu.memory_space<vmem>>, %arg12: memref<256x64xf32, #tpu.memory_space<vmem>>, %arg13: memref<256x64xf32, #tpu.memory_space<vmem>>, %arg14: memref<256x64xf32, #tpu.memory_space<vmem>>, %arg15: memref<!tpu.dma_semaphore, #tpu.memory_space<semaphore_mem>>, %arg16: memref<!tpu.dma_semaphore, #tpu.memory_space<semaphore_mem>>, %arg17: memref<!tpu.dma_semaphore, #tpu.memory_space<semaphore_mem>>, %arg18: memref<!tpu.dma_semaphore, #tpu.memory_space<semaphore_mem>>) attributes {dimension_semantics = [#tpu.dimension_semantics<core_parallel>, #tpu.dimension_semantics<subcore_parallel>], iteration_bounds = array<i64: 2, 16>, scalar_prefetch = 0 : i64, scratch_operands = 10 : i64, tpu.core_type = #tpu.core_type<sc_vector_subcore>, window_params = [{transform_indices = #map}, {transform_indices = #map}, {transform_indices = #map1}, {transform_indices = #map1}, {transform_indices = #map1}, {transform_indices = #map1}, {transform_indices = #map1}]} {
    %mul3A = arith.constant 2 : i32
    %mul3A_0 = arith.muli %arg1, %mul3A : i32
    %add3A = arith.addi %mul3A_0, %arg0 : i32
    %mul3A_1 = arith.constant 512 : i32
    %mul3A_2 = arith.muli %add3A, %mul3A_1 : i32
    "tpu.region"() ({
      %run_scoped3A = tpu.sem_alloc : memref<!tpu.dma_semaphore, #tpu.memory_space<semaphore_mem>>
      %dma_start3A_77 = tpu.memref_slice %arg3[%mul3A_2] : memref<16384xi32, #tpu.memory_space<hbm>> -> memref<512xi32, #tpu.memory_space<hbm>>
      %dma_start3A_78 = tpu.memref_slice %arg3[%mul3A_2] : memref<16384xi32, #tpu.memory_space<hbm>> -> memref<512xi32, #tpu.memory_space<hbm>>
      tpu.enqueue_dma source(%dma_start3A_78 : memref<512xi32, #tpu.memory_space<hbm>>) target(%arg9 : memref<512xi32, #tpu.memory_space<vmem>>) target_semaphore(%run_scoped3A : memref<!tpu.dma_semaphore, #tpu.memory_space<semaphore_mem>>)
      %dma_wait3A_79 = tpu.memref_slice %arg3[%mul3A_2] : memref<16384xi32, #tpu.memory_space<hbm>> -> memref<512xi32, #tpu.memory_space<hbm>>
      %dma_wait3A_80 = tpu.memref_slice %arg3[%mul3A_2] : memref<16384xi32, #tpu.memory_space<hbm>> -> memref<512xi32, #tpu.memory_space<hbm>>
      tpu.wait_dma2 semaphore(%run_scoped3A : memref<!tpu.dma_semaphore, #tpu.memory_space<semaphore_mem>>) src(%dma_wait3A_80 : memref<512xi32, #tpu.memory_space<hbm>>) dst(%arg9 : memref<512xi32, #tpu.memory_space<vmem>>)
      tpu.yield
    }) : () -> ()
    "tpu.region"() ({
      %run_scoped3A = tpu.sem_alloc : memref<!tpu.dma_semaphore, #tpu.memory_space<semaphore_mem>>
      %dma_start3A_77 = tpu.memref_slice %arg2[%mul3A_2] : memref<16384xi32, #tpu.memory_space<hbm>> -> memref<512xi32, #tpu.memory_space<hbm>>
      %dma_start3A_78 = tpu.memref_slice %arg2[%mul3A_2] : memref<16384xi32, #tpu.memory_space<hbm>> -> memref<512xi32, #tpu.memory_space<hbm>>
      tpu.enqueue_dma source(%dma_start3A_78 : memref<512xi32, #tpu.memory_space<hbm>>) target(%arg10 : memref<512xi32, #tpu.memory_space<vmem>>) target_semaphore(%run_scoped3A : memref<!tpu.dma_semaphore, #tpu.memory_space<semaphore_mem>>)
      %dma_wait3A_79 = tpu.memref_slice %arg2[%mul3A_2] : memref<16384xi32, #tpu.memory_space<hbm>> -> memref<512xi32, #tpu.memory_space<hbm>>
      %dma_wait3A_80 = tpu.memref_slice %arg2[%mul3A_2] : memref<16384xi32, #tpu.memory_space<hbm>> -> memref<512xi32, #tpu.memory_space<hbm>>
      tpu.wait_dma2 semaphore(%run_scoped3A : memref<!tpu.dma_semaphore, #tpu.memory_space<semaphore_mem>>) src(%dma_wait3A_80 : memref<512xi32, #tpu.memory_space<hbm>>) dst(%arg10 : memref<512xi32, #tpu.memory_space<vmem>>)
      tpu.yield
    }) : () -> ()
    %add3A_3 = arith.constant 0 : i32
    %add3A_4 = arith.addi %mul3A_2, %add3A_3 : i32
    %dma_start3A = arith.constant 0 : i32
    %dma_start3A_5 = tpu.memref_slice %arg9[%dma_start3A] : memref<512xi32, #tpu.memory_space<vmem>> -> memref<256xi32, #tpu.memory_space<vmem>>
    %dma_start3A_6 = arith.constant 0 : i32
    %dma_start3A_7 = arith.constant 0 : i32
    %dma_start3A_8 = tpu.memref_slice %arg6[%dma_start3A_6, %dma_start3A_7] : memref<100000x64xf32, #tpu.memory_space<hbm>> -> memref<100000x64xf32, #tpu.memory_space<hbm>>
    tpu.enqueue_indirect_dma source(%dma_start3A_8 : memref<100000x64xf32, #tpu.memory_space<hbm>>) target(%arg11 : memref<256x64xf32, #tpu.memory_space<vmem>>) offsets(%dma_start3A_5 : memref<256xi32, #tpu.memory_space<vmem>>) semaphore(%arg15 : memref<!tpu.dma_semaphore, #tpu.memory_space<semaphore_mem>>)
    %dma_start3A_9 = arith.constant 0 : i32
    %dma_start3A_10 = tpu.memref_slice %arg10[%dma_start3A_9] : memref<512xi32, #tpu.memory_space<vmem>> -> memref<256xi32, #tpu.memory_space<vmem>>
    %dma_start3A_11 = arith.constant 0 : i32
    %dma_start3A_12 = arith.constant 0 : i32
    %dma_start3A_13 = tpu.memref_slice %arg5[%dma_start3A_11, %dma_start3A_12] : memref<100000x64xf32, #tpu.memory_space<hbm>> -> memref<100000x64xf32, #tpu.memory_space<hbm>>
    tpu.enqueue_indirect_dma source(%dma_start3A_13 : memref<100000x64xf32, #tpu.memory_space<hbm>>) target(%arg12 : memref<256x64xf32, #tpu.memory_space<vmem>>) offsets(%dma_start3A_10 : memref<256xi32, #tpu.memory_space<vmem>>) semaphore(%arg16 : memref<!tpu.dma_semaphore, #tpu.memory_space<semaphore_mem>>)
    %dma_start3A_14 = arith.constant 0 : i32
    %dma_start3A_15 = tpu.memref_slice %arg4[%add3A_4, %dma_start3A_14] : memref<16384x64xf32, #tpu.memory_space<hbm>> -> memref<256x64xf32, #tpu.memory_space<hbm>>
    %dma_start3A_16 = arith.constant 0 : i32
    %dma_start3A_17 = tpu.memref_slice %arg4[%add3A_4, %dma_start3A_16] : memref<16384x64xf32, #tpu.memory_space<hbm>> -> memref<256x64xf32, #tpu.memory_space<hbm>>
    tpu.enqueue_dma source(%dma_start3A_17 : memref<256x64xf32, #tpu.memory_space<hbm>>) target(%arg13 : memref<256x64xf32, #tpu.memory_space<vmem>>) target_semaphore(%arg17 : memref<!tpu.dma_semaphore, #tpu.memory_space<semaphore_mem>>)
    %dma_start3A_18 = arith.constant 0 : i32
    %dma_start3A_19 = tpu.memref_slice %arg7[%add3A_4, %dma_start3A_18] : memref<16384x64xf32, #tpu.memory_space<hbm>> -> memref<256x64xf32, #tpu.memory_space<hbm>>
    %dma_start3A_20 = arith.constant 0 : i32
    %dma_start3A_21 = tpu.memref_slice %arg7[%add3A_4, %dma_start3A_20] : memref<16384x64xf32, #tpu.memory_space<hbm>> -> memref<256x64xf32, #tpu.memory_space<hbm>>
    tpu.enqueue_dma source(%dma_start3A_21 : memref<256x64xf32, #tpu.memory_space<hbm>>) target(%arg14 : memref<256x64xf32, #tpu.memory_space<vmem>>) target_semaphore(%arg18 : memref<!tpu.dma_semaphore, #tpu.memory_space<semaphore_mem>>)
    %dma_wait3A = arith.constant 0 : i32
    %dma_wait3A_22 = tpu.memref_slice %arg9[%dma_wait3A] : memref<512xi32, #tpu.memory_space<vmem>> -> memref<256xi32, #tpu.memory_space<vmem>>
    %dma_wait3A_23 = arith.constant 0 : i32
    %dma_wait3A_24 = arith.constant 0 : i32
    %dma_wait3A_25 = tpu.memref_slice %arg6[%dma_wait3A_23, %dma_wait3A_24] : memref<100000x64xf32, #tpu.memory_space<hbm>> -> memref<100000x64xf32, #tpu.memory_space<hbm>>
    tpu.wait_indirect_dma semaphore(%arg15 : memref<!tpu.dma_semaphore, #tpu.memory_space<semaphore_mem>>) src(%dma_wait3A_25 : memref<100000x64xf32, #tpu.memory_space<hbm>>) dst(%arg11 : memref<256x64xf32, #tpu.memory_space<vmem>>)
    "tpu.region"() ({
      %run_scoped3A = tpu.sem_alloc : memref<!tpu.dma_semaphore, #tpu.memory_space<semaphore_mem>>
      %dma_start3A_77 = arith.constant 0 : i32
      %dma_start3A_78 = tpu.memref_slice %arg8[%add3A_4, %dma_start3A_77] : memref<16384x256xf32, #tpu.memory_space<hbm>> -> memref<256x64xf32, #tpu.memory_space<hbm>>
      %dma_start3A_79 = arith.constant 0 : i32
      %dma_start3A_80 = tpu.memref_slice %arg8[%add3A_4, %dma_start3A_79] : memref<16384x256xf32, #tpu.memory_space<hbm>> -> memref<256x64xf32, #tpu.memory_space<hbm>>
      tpu.enqueue_dma source(%arg11 : memref<256x64xf32, #tpu.memory_space<vmem>>) target(%dma_start3A_80 : memref<256x64xf32, #tpu.memory_space<hbm>>) target_semaphore(%run_scoped3A : memref<!tpu.dma_semaphore, #tpu.memory_space<semaphore_mem>>)
      %dma_wait3A_81 = arith.constant 0 : i32
      %dma_wait3A_82 = tpu.memref_slice %arg8[%add3A_4, %dma_wait3A_81] : memref<16384x256xf32, #tpu.memory_space<hbm>> -> memref<256x64xf32, #tpu.memory_space<hbm>>
      %dma_wait3A_83 = arith.constant 0 : i32
      %dma_wait3A_84 = tpu.memref_slice %arg8[%add3A_4, %dma_wait3A_83] : memref<16384x256xf32, #tpu.memory_space<hbm>> -> memref<256x64xf32, #tpu.memory_space<hbm>>
      tpu.wait_dma2 semaphore(%run_scoped3A : memref<!tpu.dma_semaphore, #tpu.memory_space<semaphore_mem>>) src(%arg11 : memref<256x64xf32, #tpu.memory_space<vmem>>) dst(%dma_wait3A_84 : memref<256x64xf32, #tpu.memory_space<hbm>>)
      tpu.yield
    }) : () -> ()
    %dma_wait3A_26 = arith.constant 0 : i32
    %dma_wait3A_27 = tpu.memref_slice %arg4[%add3A_4, %dma_wait3A_26] : memref<16384x64xf32, #tpu.memory_space<hbm>> -> memref<256x64xf32, #tpu.memory_space<hbm>>
    %dma_wait3A_28 = arith.constant 0 : i32
    %dma_wait3A_29 = tpu.memref_slice %arg4[%add3A_4, %dma_wait3A_28] : memref<16384x64xf32, #tpu.memory_space<hbm>> -> memref<256x64xf32, #tpu.memory_space<hbm>>
    tpu.wait_dma2 semaphore(%arg17 : memref<!tpu.dma_semaphore, #tpu.memory_space<semaphore_mem>>) src(%dma_wait3A_29 : memref<256x64xf32, #tpu.memory_space<hbm>>) dst(%arg13 : memref<256x64xf32, #tpu.memory_space<vmem>>)
    "tpu.region"() ({
      %run_scoped3A = tpu.sem_alloc : memref<!tpu.dma_semaphore, #tpu.memory_space<semaphore_mem>>
      %dma_start3A_77 = arith.constant 64 : i32
      %dma_start3A_78 = tpu.memref_slice %arg8[%add3A_4, %dma_start3A_77] : memref<16384x256xf32, #tpu.memory_space<hbm>> -> memref<256x64xf32, #tpu.memory_space<hbm>>
      %dma_start3A_79 = arith.constant 64 : i32
      %dma_start3A_80 = tpu.memref_slice %arg8[%add3A_4, %dma_start3A_79] : memref<16384x256xf32, #tpu.memory_space<hbm>> -> memref<256x64xf32, #tpu.memory_space<hbm>>
      tpu.enqueue_dma source(%arg13 : memref<256x64xf32, #tpu.memory_space<vmem>>) target(%dma_start3A_80 : memref<256x64xf32, #tpu.memory_space<hbm>>) target_semaphore(%run_scoped3A : memref<!tpu.dma_semaphore, #tpu.memory_space<semaphore_mem>>)
      %dma_wait3A_81 = arith.constant 64 : i32
      %dma_wait3A_82 = tpu.memref_slice %arg8[%add3A_4, %dma_wait3A_81] : memref<16384x256xf32, #tpu.memory_space<hbm>> -> memref<256x64xf32, #tpu.memory_space<hbm>>
      %dma_wait3A_83 = arith.constant 64 : i32
      %dma_wait3A_84 = tpu.memref_slice %arg8[%add3A_4, %dma_wait3A_83] : memref<16384x256xf32, #tpu.memory_space<hbm>> -> memref<256x64xf32, #tpu.memory_space<hbm>>
      tpu.wait_dma2 semaphore(%run_scoped3A : memref<!tpu.dma_semaphore, #tpu.memory_space<semaphore_mem>>) src(%arg13 : memref<256x64xf32, #tpu.memory_space<vmem>>) dst(%dma_wait3A_84 : memref<256x64xf32, #tpu.memory_space<hbm>>)
      tpu.yield
    }) : () -> ()
    %dma_wait3A_30 = arith.constant 0 : i32
    %dma_wait3A_31 = tpu.memref_slice %arg10[%dma_wait3A_30] : memref<512xi32, #tpu.memory_space<vmem>> -> memref<256xi32, #tpu.memory_space<vmem>>
    %dma_wait3A_32 = arith.constant 0 : i32
    %dma_wait3A_33 = arith.constant 0 : i32
    %dma_wait3A_34 = tpu.memref_slice %arg5[%dma_wait3A_32, %dma_wait3A_33] : memref<100000x64xf32, #tpu.memory_space<hbm>> -> memref<100000x64xf32, #tpu.memory_space<hbm>>
    tpu.wait_indirect_dma semaphore(%arg16 : memref<!tpu.dma_semaphore, #tpu.memory_space<semaphore_mem>>) src(%dma_wait3A_34 : memref<100000x64xf32, #tpu.memory_space<hbm>>) dst(%arg12 : memref<256x64xf32, #tpu.memory_space<vmem>>)
    "tpu.region"() ({
      %run_scoped3A = tpu.sem_alloc : memref<!tpu.dma_semaphore, #tpu.memory_space<semaphore_mem>>
      %dma_start3A_77 = arith.constant 128 : i32
      %dma_start3A_78 = tpu.memref_slice %arg8[%add3A_4, %dma_start3A_77] : memref<16384x256xf32, #tpu.memory_space<hbm>> -> memref<256x64xf32, #tpu.memory_space<hbm>>
      %dma_start3A_79 = arith.constant 128 : i32
      %dma_start3A_80 = tpu.memref_slice %arg8[%add3A_4, %dma_start3A_79] : memref<16384x256xf32, #tpu.memory_space<hbm>> -> memref<256x64xf32, #tpu.memory_space<hbm>>
      tpu.enqueue_dma source(%arg12 : memref<256x64xf32, #tpu.memory_space<vmem>>) target(%dma_start3A_80 : memref<256x64xf32, #tpu.memory_space<hbm>>) target_semaphore(%run_scoped3A : memref<!tpu.dma_semaphore, #tpu.memory_space<semaphore_mem>>)
      %dma_wait3A_81 = arith.constant 128 : i32
      %dma_wait3A_82 = tpu.memref_slice %arg8[%add3A_4, %dma_wait3A_81] : memref<16384x256xf32, #tpu.memory_space<hbm>> -> memref<256x64xf32, #tpu.memory_space<hbm>>
      %dma_wait3A_83 = arith.constant 128 : i32
      %dma_wait3A_84 = tpu.memref_slice %arg8[%add3A_4, %dma_wait3A_83] : memref<16384x256xf32, #tpu.memory_space<hbm>> -> memref<256x64xf32, #tpu.memory_space<hbm>>
      tpu.wait_dma2 semaphore(%run_scoped3A : memref<!tpu.dma_semaphore, #tpu.memory_space<semaphore_mem>>) src(%arg12 : memref<256x64xf32, #tpu.memory_space<vmem>>) dst(%dma_wait3A_84 : memref<256x64xf32, #tpu.memory_space<hbm>>)
      tpu.yield
    }) : () -> ()
    %dma_wait3A_35 = arith.constant 0 : i32
    %dma_wait3A_36 = tpu.memref_slice %arg7[%add3A_4, %dma_wait3A_35] : memref<16384x64xf32, #tpu.memory_space<hbm>> -> memref<256x64xf32, #tpu.memory_space<hbm>>
    %dma_wait3A_37 = arith.constant 0 : i32
    %dma_wait3A_38 = tpu.memref_slice %arg7[%add3A_4, %dma_wait3A_37] : memref<16384x64xf32, #tpu.memory_space<hbm>> -> memref<256x64xf32, #tpu.memory_space<hbm>>
    tpu.wait_dma2 semaphore(%arg18 : memref<!tpu.dma_semaphore, #tpu.memory_space<semaphore_mem>>) src(%dma_wait3A_38 : memref<256x64xf32, #tpu.memory_space<hbm>>) dst(%arg14 : memref<256x64xf32, #tpu.memory_space<vmem>>)
    "tpu.region"() ({
      %run_scoped3A = tpu.sem_alloc : memref<!tpu.dma_semaphore, #tpu.memory_space<semaphore_mem>>
      %dma_start3A_77 = arith.constant 192 : i32
      %dma_start3A_78 = tpu.memref_slice %arg8[%add3A_4, %dma_start3A_77] : memref<16384x256xf32, #tpu.memory_space<hbm>> -> memref<256x64xf32, #tpu.memory_space<hbm>>
      %dma_start3A_79 = arith.constant 192 : i32
      %dma_start3A_80 = tpu.memref_slice %arg8[%add3A_4, %dma_start3A_79] : memref<16384x256xf32, #tpu.memory_space<hbm>> -> memref<256x64xf32, #tpu.memory_space<hbm>>
      tpu.enqueue_dma source(%arg14 : memref<256x64xf32, #tpu.memory_space<vmem>>) target(%dma_start3A_80 : memref<256x64xf32, #tpu.memory_space<hbm>>) target_semaphore(%run_scoped3A : memref<!tpu.dma_semaphore, #tpu.memory_space<semaphore_mem>>)
      %dma_wait3A_81 = arith.constant 192 : i32
      %dma_wait3A_82 = tpu.memref_slice %arg8[%add3A_4, %dma_wait3A_81] : memref<16384x256xf32, #tpu.memory_space<hbm>> -> memref<256x64xf32, #tpu.memory_space<hbm>>
      %dma_wait3A_83 = arith.constant 192 : i32
      %dma_wait3A_84 = tpu.memref_slice %arg8[%add3A_4, %dma_wait3A_83] : memref<16384x256xf32, #tpu.memory_space<hbm>> -> memref<256x64xf32, #tpu.memory_space<hbm>>
      tpu.wait_dma2 semaphore(%run_scoped3A : memref<!tpu.dma_semaphore, #tpu.memory_space<semaphore_mem>>) src(%arg14 : memref<256x64xf32, #tpu.memory_space<vmem>>) dst(%dma_wait3A_84 : memref<256x64xf32, #tpu.memory_space<hbm>>)
      tpu.yield
    }) : () -> ()
    %add3A_39 = arith.constant 256 : i32
    %add3A_40 = arith.addi %mul3A_2, %add3A_39 : i32
    %dma_start3A_41 = arith.constant 256 : i32
    %dma_start3A_42 = tpu.memref_slice %arg9[%dma_start3A_41] : memref<512xi32, #tpu.memory_space<vmem>> -> memref<256xi32, #tpu.memory_space<vmem>>
    %dma_start3A_43 = arith.constant 0 : i32
    %dma_start3A_44 = arith.constant 0 : i32
    %dma_start3A_45 = tpu.memref_slice %arg6[%dma_start3A_43, %dma_start3A_44] : memref<100000x64xf32, #tpu.memory_space<hbm>> -> memref<100000x64xf32, #tpu.memory_space<hbm>>
    tpu.enqueue_indirect_dma source(%dma_start3A_45 : memref<100000x64xf32, #tpu.memory_space<hbm>>) target(%arg11 : memref<256x64xf32, #tpu.memory_space<vmem>>) offsets(%dma_start3A_42 : memref<256xi32, #tpu.memory_space<vmem>>) semaphore(%arg15 : memref<!tpu.dma_semaphore, #tpu.memory_space<semaphore_mem>>)
    %dma_start3A_46 = arith.constant 256 : i32
    %dma_start3A_47 = tpu.memref_slice %arg10[%dma_start3A_46] : memref<512xi32, #tpu.memory_space<vmem>> -> memref<256xi32, #tpu.memory_space<vmem>>
    %dma_start3A_48 = arith.constant 0 : i32
    %dma_start3A_49 = arith.constant 0 : i32
    %dma_start3A_50 = tpu.memref_slice %arg5[%dma_start3A_48, %dma_start3A_49] : memref<100000x64xf32, #tpu.memory_space<hbm>> -> memref<100000x64xf32, #tpu.memory_space<hbm>>
    tpu.enqueue_indirect_dma source(%dma_start3A_50 : memref<100000x64xf32, #tpu.memory_space<hbm>>) target(%arg12 : memref<256x64xf32, #tpu.memory_space<vmem>>) offsets(%dma_start3A_47 : memref<256xi32, #tpu.memory_space<vmem>>) semaphore(%arg16 : memref<!tpu.dma_semaphore, #tpu.memory_space<semaphore_mem>>)
    %dma_start3A_51 = arith.constant 0 : i32
    %dma_start3A_52 = tpu.memref_slice %arg4[%add3A_40, %dma_start3A_51] : memref<16384x64xf32, #tpu.memory_space<hbm>> -> memref<256x64xf32, #tpu.memory_space<hbm>>
    %dma_start3A_53 = arith.constant 0 : i32
    %dma_start3A_54 = tpu.memref_slice %arg4[%add3A_40, %dma_start3A_53] : memref<16384x64xf32, #tpu.memory_space<hbm>> -> memref<256x64xf32, #tpu.memory_space<hbm>>
    tpu.enqueue_dma source(%dma_start3A_54 : memref<256x64xf32, #tpu.memory_space<hbm>>) target(%arg13 : memref<256x64xf32, #tpu.memory_space<vmem>>) target_semaphore(%arg17 : memref<!tpu.dma_semaphore, #tpu.memory_space<semaphore_mem>>)
    %dma_start3A_55 = arith.constant 0 : i32
    %dma_start3A_56 = tpu.memref_slice %arg7[%add3A_40, %dma_start3A_55] : memref<16384x64xf32, #tpu.memory_space<hbm>> -> memref<256x64xf32, #tpu.memory_space<hbm>>
    %dma_start3A_57 = arith.constant 0 : i32
    %dma_start3A_58 = tpu.memref_slice %arg7[%add3A_40, %dma_start3A_57] : memref<16384x64xf32, #tpu.memory_space<hbm>> -> memref<256x64xf32, #tpu.memory_space<hbm>>
    tpu.enqueue_dma source(%dma_start3A_58 : memref<256x64xf32, #tpu.memory_space<hbm>>) target(%arg14 : memref<256x64xf32, #tpu.memory_space<vmem>>) target_semaphore(%arg18 : memref<!tpu.dma_semaphore, #tpu.memory_space<semaphore_mem>>)
    %dma_wait3A_59 = arith.constant 256 : i32
    %dma_wait3A_60 = tpu.memref_slice %arg9[%dma_wait3A_59] : memref<512xi32, #tpu.memory_space<vmem>> -> memref<256xi32, #tpu.memory_space<vmem>>
    %dma_wait3A_61 = arith.constant 0 : i32
    %dma_wait3A_62 = arith.constant 0 : i32
    %dma_wait3A_63 = tpu.memref_slice %arg6[%dma_wait3A_61, %dma_wait3A_62] : memref<100000x64xf32, #tpu.memory_space<hbm>> -> memref<100000x64xf32, #tpu.memory_space<hbm>>
    tpu.wait_indirect_dma semaphore(%arg15 : memref<!tpu.dma_semaphore, #tpu.memory_space<semaphore_mem>>) src(%dma_wait3A_63 : memref<100000x64xf32, #tpu.memory_space<hbm>>) dst(%arg11 : memref<256x64xf32, #tpu.memory_space<vmem>>)
    "tpu.region"() ({
      %run_scoped3A = tpu.sem_alloc : memref<!tpu.dma_semaphore, #tpu.memory_space<semaphore_mem>>
      %dma_start3A_77 = arith.constant 0 : i32
      %dma_start3A_78 = tpu.memref_slice %arg8[%add3A_40, %dma_start3A_77] : memref<16384x256xf32, #tpu.memory_space<hbm>> -> memref<256x64xf32, #tpu.memory_space<hbm>>
      %dma_start3A_79 = arith.constant 0 : i32
      %dma_start3A_80 = tpu.memref_slice %arg8[%add3A_40, %dma_start3A_79] : memref<16384x256xf32, #tpu.memory_space<hbm>> -> memref<256x64xf32, #tpu.memory_space<hbm>>
      tpu.enqueue_dma source(%arg11 : memref<256x64xf32, #tpu.memory_space<vmem>>) target(%dma_start3A_80 : memref<256x64xf32, #tpu.memory_space<hbm>>) target_semaphore(%run_scoped3A : memref<!tpu.dma_semaphore, #tpu.memory_space<semaphore_mem>>)
      %dma_wait3A_81 = arith.constant 0 : i32
      %dma_wait3A_82 = tpu.memref_slice %arg8[%add3A_40, %dma_wait3A_81] : memref<16384x256xf32, #tpu.memory_space<hbm>> -> memref<256x64xf32, #tpu.memory_space<hbm>>
      %dma_wait3A_83 = arith.constant 0 : i32
      %dma_wait3A_84 = tpu.memref_slice %arg8[%add3A_40, %dma_wait3A_83] : memref<16384x256xf32, #tpu.memory_space<hbm>> -> memref<256x64xf32, #tpu.memory_space<hbm>>
      tpu.wait_dma2 semaphore(%run_scoped3A : memref<!tpu.dma_semaphore, #tpu.memory_space<semaphore_mem>>) src(%arg11 : memref<256x64xf32, #tpu.memory_space<vmem>>) dst(%dma_wait3A_84 : memref<256x64xf32, #tpu.memory_space<hbm>>)
      tpu.yield
    }) : () -> ()
    %dma_wait3A_64 = arith.constant 0 : i32
    %dma_wait3A_65 = tpu.memref_slice %arg4[%add3A_40, %dma_wait3A_64] : memref<16384x64xf32, #tpu.memory_space<hbm>> -> memref<256x64xf32, #tpu.memory_space<hbm>>
    %dma_wait3A_66 = arith.constant 0 : i32
    %dma_wait3A_67 = tpu.memref_slice %arg4[%add3A_40, %dma_wait3A_66] : memref<16384x64xf32, #tpu.memory_space<hbm>> -> memref<256x64xf32, #tpu.memory_space<hbm>>
    tpu.wait_dma2 semaphore(%arg17 : memref<!tpu.dma_semaphore, #tpu.memory_space<semaphore_mem>>) src(%dma_wait3A_67 : memref<256x64xf32, #tpu.memory_space<hbm>>) dst(%arg13 : memref<256x64xf32, #tpu.memory_space<vmem>>)
    "tpu.region"() ({
      %run_scoped3A = tpu.sem_alloc : memref<!tpu.dma_semaphore, #tpu.memory_space<semaphore_mem>>
      %dma_start3A_77 = arith.constant 64 : i32
      %dma_start3A_78 = tpu.memref_slice %arg8[%add3A_40, %dma_start3A_77] : memref<16384x256xf32, #tpu.memory_space<hbm>> -> memref<256x64xf32, #tpu.memory_space<hbm>>
      %dma_start3A_79 = arith.constant 64 : i32
      %dma_start3A_80 = tpu.memref_slice %arg8[%add3A_40, %dma_start3A_79] : memref<16384x256xf32, #tpu.memory_space<hbm>> -> memref<256x64xf32, #tpu.memory_space<hbm>>
      tpu.enqueue_dma source(%arg13 : memref<256x64xf32, #tpu.memory_space<vmem>>) target(%dma_start3A_80 : memref<256x64xf32, #tpu.memory_space<hbm>>) target_semaphore(%run_scoped3A : memref<!tpu.dma_semaphore, #tpu.memory_space<semaphore_mem>>)
      %dma_wait3A_81 = arith.constant 64 : i32
      %dma_wait3A_82 = tpu.memref_slice %arg8[%add3A_40, %dma_wait3A_81] : memref<16384x256xf32, #tpu.memory_space<hbm>> -> memref<256x64xf32, #tpu.memory_space<hbm>>
      %dma_wait3A_83 = arith.constant 64 : i32
      %dma_wait3A_84 = tpu.memref_slice %arg8[%add3A_40, %dma_wait3A_83] : memref<16384x256xf32, #tpu.memory_space<hbm>> -> memref<256x64xf32, #tpu.memory_space<hbm>>
      tpu.wait_dma2 semaphore(%run_scoped3A : memref<!tpu.dma_semaphore, #tpu.memory_space<semaphore_mem>>) src(%arg13 : memref<256x64xf32, #tpu.memory_space<vmem>>) dst(%dma_wait3A_84 : memref<256x64xf32, #tpu.memory_space<hbm>>)
      tpu.yield
    }) : () -> ()
    %dma_wait3A_68 = arith.constant 256 : i32
    %dma_wait3A_69 = tpu.memref_slice %arg10[%dma_wait3A_68] : memref<512xi32, #tpu.memory_space<vmem>> -> memref<256xi32, #tpu.memory_space<vmem>>
    %dma_wait3A_70 = arith.constant 0 : i32
    %dma_wait3A_71 = arith.constant 0 : i32
    %dma_wait3A_72 = tpu.memref_slice %arg5[%dma_wait3A_70, %dma_wait3A_71] : memref<100000x64xf32, #tpu.memory_space<hbm>> -> memref<100000x64xf32, #tpu.memory_space<hbm>>
    tpu.wait_indirect_dma semaphore(%arg16 : memref<!tpu.dma_semaphore, #tpu.memory_space<semaphore_mem>>) src(%dma_wait3A_72 : memref<100000x64xf32, #tpu.memory_space<hbm>>) dst(%arg12 : memref<256x64xf32, #tpu.memory_space<vmem>>)
    "tpu.region"() ({
      %run_scoped3A = tpu.sem_alloc : memref<!tpu.dma_semaphore, #tpu.memory_space<semaphore_mem>>
      %dma_start3A_77 = arith.constant 128 : i32
      %dma_start3A_78 = tpu.memref_slice %arg8[%add3A_40, %dma_start3A_77] : memref<16384x256xf32, #tpu.memory_space<hbm>> -> memref<256x64xf32, #tpu.memory_space<hbm>>
      %dma_start3A_79 = arith.constant 128 : i32
      %dma_start3A_80 = tpu.memref_slice %arg8[%add3A_40, %dma_start3A_79] : memref<16384x256xf32, #tpu.memory_space<hbm>> -> memref<256x64xf32, #tpu.memory_space<hbm>>
      tpu.enqueue_dma source(%arg12 : memref<256x64xf32, #tpu.memory_space<vmem>>) target(%dma_start3A_80 : memref<256x64xf32, #tpu.memory_space<hbm>>) target_semaphore(%run_scoped3A : memref<!tpu.dma_semaphore, #tpu.memory_space<semaphore_mem>>)
      %dma_wait3A_81 = arith.constant 128 : i32
      %dma_wait3A_82 = tpu.memref_slice %arg8[%add3A_40, %dma_wait3A_81] : memref<16384x256xf32, #tpu.memory_space<hbm>> -> memref<256x64xf32, #tpu.memory_space<hbm>>
      %dma_wait3A_83 = arith.constant 128 : i32
      %dma_wait3A_84 = tpu.memref_slice %arg8[%add3A_40, %dma_wait3A_83] : memref<16384x256xf32, #tpu.memory_space<hbm>> -> memref<256x64xf32, #tpu.memory_space<hbm>>
      tpu.wait_dma2 semaphore(%run_scoped3A : memref<!tpu.dma_semaphore, #tpu.memory_space<semaphore_mem>>) src(%arg12 : memref<256x64xf32, #tpu.memory_space<vmem>>) dst(%dma_wait3A_84 : memref<256x64xf32, #tpu.memory_space<hbm>>)
      tpu.yield
    }) : () -> ()
    %dma_wait3A_73 = arith.constant 0 : i32
    %dma_wait3A_74 = tpu.memref_slice %arg7[%add3A_40, %dma_wait3A_73] : memref<16384x64xf32, #tpu.memory_space<hbm>> -> memref<256x64xf32, #tpu.memory_space<hbm>>
    %dma_wait3A_75 = arith.constant 0 : i32
    %dma_wait3A_76 = tpu.memref_slice %arg7[%add3A_40, %dma_wait3A_75] : memref<16384x64xf32, #tpu.memory_space<hbm>> -> memref<256x64xf32, #tpu.memory_space<hbm>>
    tpu.wait_dma2 semaphore(%arg18 : memref<!tpu.dma_semaphore, #tpu.memory_space<semaphore_mem>>) src(%dma_wait3A_76 : memref<256x64xf32, #tpu.memory_space<hbm>>) dst(%arg14 : memref<256x64xf32, #tpu.memory_space<vmem>>)
    "tpu.region"() ({
      %run_scoped3A = tpu.sem_alloc : memref<!tpu.dma_semaphore, #tpu.memory_space<semaphore_mem>>
      %dma_start3A_77 = arith.constant 192 : i32
      %dma_start3A_78 = tpu.memref_slice %arg8[%add3A_40, %dma_start3A_77] : memref<16384x256xf32, #tpu.memory_space<hbm>> -> memref<256x64xf32, #tpu.memory_space<hbm>>
      %dma_start3A_79 = arith.constant 192 : i32
      %dma_start3A_80 = tpu.memref_slice %arg8[%add3A_40, %dma_start3A_79] : memref<16384x256xf32, #tpu.memory_space<hbm>> -> memref<256x64xf32, #tpu.memory_space<hbm>>
      tpu.enqueue_dma source(%arg14 : memref<256x64xf32, #tpu.memory_space<vmem>>) target(%dma_start3A_80 : memref<256x64xf32, #tpu.memory_space<hbm>>) target_semaphore(%run_scoped3A : memref<!tpu.dma_semaphore, #tpu.memory_space<semaphore_mem>>)
      %dma_wait3A_81 = arith.constant 192 : i32
      %dma_wait3A_82 = tpu.memref_slice %arg8[%add3A_40, %dma_wait3A_81] : memref<16384x256xf32, #tpu.memory_space<hbm>> -> memref<256x64xf32, #tpu.memory_space<hbm>>
      %dma_wait3A_83 = arith.constant 192 : i32
      %dma_wait3A_84 = tpu.memref_slice %arg8[%add3A_40, %dma_wait3A_83] : memref<16384x256xf32, #tpu.memory_space<hbm>> -> memref<256x64xf32, #tpu.memory_space<hbm>>
      tpu.wait_dma2 semaphore(%run_scoped3A : memref<!tpu.dma_semaphore, #tpu.memory_space<semaphore_mem>>) src(%arg14 : memref<256x64xf32, #tpu.memory_space<vmem>>) dst(%dma_wait3A_84 : memref<256x64xf32, #tpu.memory_space<hbm>>)
      tpu.yield
    }) : () -> ()
    return
  }
}

</mosaic_0001>

<sc_bundles>
// kernel: kernel.3.cloned.1.call-start
scs
__scs_entry_jumppad:
0x0: {  	(pc) =	sbr.rel $0x88, $3  }
0x1: {  	(tag) =	ssettag $0x0;
	lr =	simm.s32 $0x1  }
0x2: {  	[smem:$0x3F9B] =	sst lr;
	_ =	strace $0xD0000000  }
0x3: {  	_ = 	snop  }
0x4: {  	_ = 	snop  }
0x5: {  	_ = 	snop  }
0x6: {  	_ = 	snop  }
0x7: {  	_ = 	snop  }
__scs_overlays_trampoline_lowered:
0x8: {  	[smem:$0x3FAA] =	sst s0  }
0x9: {  	[smem:$0x3FAB] =	sst s1  }
0xa: {  	[smem:$0x3FAC] =	sst s2  }
0xb: {  	[smem:$0x3FAD] =	sst s3  }
0xc: {  	[smem:$0x3FAE] =	sst s4  }
0xd: {  	[smem:$0x3FAF] =	sst s5  }
0xe: {  	[smem:$0x3FB0] =	sst s6  }
0xf: {  	[smem:$0x3FB1] =	sst s7  }
0x10: {  	[smem:$0x3FB2] =	sst s8  }
0x11: {  	[smem:$0x3FB3] =	sst s9;
	s0 =	simm.s32 @!p0 $0x0  }
0x12: {  	s1 =	sld [smem:$0x3F99];
	s0 =	simm.s32 @p0 $0x1  }
0x13: {  	[smem:$0x3FB4] =	sst s0;
	s0 =	simm.s32 @!p1 $0x0  }
0x14: {  	s2 =	sld [smem:$0x3F98];
	s0 =	simm.s32 @p1 $0x1  }
0x15: {  	[smem:$0x3FB5] =	sst s0;
	s0 =	simm.s32 @!p2 $0x0  }
0x16: {  	s3 =	sld [smem:$0x3FDB];
	s0 =	simm.s32 @p2 $0x1  }
0x17: {  	s4 =	simm.s32 $0x1BF5;
	[smem:$0x3FB7] =	sst s0  }
0x18: {  	s0 =	sld [smem:$0x3F9A];
	_ =	swait.ge [sflag:s4], $0x0  }
0x19: {  	s7 =	sld [smem:$0x3F9B]  }
0x1a: {  	s8 =	sadd.s32 $0xFFFFE003, lr  }
0x1b: {  	s9 =	sadd.s32 $0xFFFFFEF7, lr;
	s5 =	simm.s32 $0xFFFFFFFF;
	p2 =	slt.u32 s8, $0xFFFFF086  }
0x1c: {  	p1 =	slt.u32 s9, $0xF7A;
	s5 =	simm.s32 @!p2 $0x0  }
0x1d: {  	s5 =	simm.s32 @p1 $0x1;
	p0 =	seq.s32 s7, s2  }
0x1e: {  	s7 =	smul.u32 @!p0 $0xF7A, s2;
	p2 =	seq.s32 @!p0 s5, $0x0  }
0x1f: {  	s9 =	smul.u32 $0xF7A, s1;
	s8 =	simm.s32 @!p0 $0x1BF5;
	p2 =	por !p2, p0  }
0x20: {  	[sflag:s8] =	ssyncset.s32 @!p0 $0xFFFFF086;
	s6 =	sadd.s32 @!p0 s3, s7;
	s7 =	simm.s32 @!p0 $0x108  }
0x21: {  	s3 =	sadd.s32 s3, s9;
	s6 =	sadd.s32 @!p0 $0x88, s6;
	s7 =	simm.s32 @p2 $0x1082  }
0x22: {  	[simem:s7], [sflag:s8] =	dma.local @!p0 [hbm:s6], $0xF7A  }
0x23: {  	s9 =	sor.u32 $0xD0000000, s2;
	s6 =	simm.s32 $0x108;
	_ =	swait.ge @!p0 [sflag:s8], $0x0  }
0x24: {  	s3 =	sadd.s32 $0x88, s3;
	s6 =	simm.s32 @!p1 $0x1082;
	[sflag:s4] =	ssyncset.s32 $0xFFFFF086  }
0x25: {  	[simem:s6], [sflag:s4] =	dma.local [hbm:s3], $0xF7A  }
0x26: {  	[smem:$0x3F9B] =	sst s1;
	(tag) =	ssettag s2;
	_ =	strace s9  }
0x27: {  	s1 =	sld [smem:$0x3FAB]  }
0x28: {  	s2 =	sld [smem:$0x3FAC]  }
0x29: {  	s4 =	sld [smem:$0x3FAE]  }
0x2a: {  	p0 =	seq.s32 s5, $0x0;
	s5 =	sld [smem:$0x3FAF]  }
0x2b: {  	s6 =	sld [smem:$0x3FB0]  }
0x2c: {  	s7 =	sld [smem:$0x3FB1]  }
0x2d: {  	s3 =	simm.s32 $0x108;
	s8 =	sld [smem:$0x3FB2]  }
0x2e: {  	s3 =	simm.s32 @!p0 $0x1082;
	s9 =	sld [smem:$0x3FB3]  }
0x2f: {  	lr =	sadd.s32 s0, s3;
	s0 =	sld [smem:$0x3FAA]  }
0x30: {  	s3 =	sld [smem:$0x3FAD]  }
0x31: {  	[smem:$0x3FB6] =	sst s10  }
0x32: {  	s10 =	sld [smem:$0x3FB4];
	_ =	sdelay $0x3  }
0x33: {  	p0 =	seq.s32 s10, $0x1;
	s10 =	sld [smem:$0x3FB6];
	_ =	sdelay $0x3  }
0x34: {  	[smem:$0x3FB6] =	sst s10  }
0x35: {  	s10 =	sld [smem:$0x3FB5];
	_ =	sdelay $0x3  }
0x36: {  	p1 =	seq.s32 s10, $0x1;
	s10 =	sld [smem:$0x3FB6];
	_ =	sdelay $0x3  }
0x37: {  	[smem:$0x3FB6] =	sst s10  }
0x38: {  	s10 =	sld [smem:$0x3FB7]  }
0x39: {  	_ = 	snop;
	(pc) =	sbr.ind lr, $3  }
0x3a: {  	_ = 	snop  }
0x3b: {  	_ = 	snop  }
0x3c: {  	p2 =	seq.s32 s10, $0x1;
	s10 =	sld [smem:$0x3FB6]  }
0x3d: {  	_ =	shalt  }
0x3e: {  	_ =	shalt  }
0x3f: {  	_ =	shalt  }
0x40: {  	_ =	shalt  }
0x41: {  	_ =	shalt  }
0x42: {  	_ =	shalt  }
0x43: {  	_ =	shalt  }
0x44: {  	_ =	shalt  }
0x45: {  	_ =	shalt  }
0x46: {  	_ =	shalt  }
0x47: {  	_ =	shalt  }
0x48: {  	_ =	shalt  }
0x49: {  	_ =	shalt  }
0x4a: {  	_ =	shalt  }
0x4b: {  	_ =	shalt  }
0x4c: {  	_ =	shalt  }
0x4d: {  	_ =	shalt  }
0x4e: {  	_ =	shalt  }
0x4f: {  	_ =	shalt  }
0x50: {  	_ =	shalt  }
0x51: {  	_ =	shalt  }
0x52: {  	_ =	shalt  }
0x53: {  	_ =	shalt  }
0x54: {  	_ =	shalt  }
0x55: {  	_ =	shalt  }
0x56: {  	_ =	shalt  }
0x57: {  	_ =	shalt  }
0x58: {  	_ =	shalt  }
0x59: {  	_ =	shalt  }
0x5a: {  	_ =	shalt  }
0x5b: {  	_ =	shalt  }
0x5c: {  	_ =	shalt  }
0x5d: {  	_ =	shalt  }
0x5e: {  	_ =	shalt  }
0x5f: {  	_ =	shalt  }
0x60: {  	_ =	shalt  }
0x61: {  	_ =	shalt  }
0x62: {  	_ =	shalt  }
0x63: {  	_ =	shalt  }
0x64: {  	_ =	shalt  }
0x65: {  	_ =	shalt  }
0x66: {  	_ =	shalt  }
0x67: {  	_ =	shalt  }
0x68: {  	_ =	shalt  }
0x69: {  	_ =	shalt  }
0x6a: {  	_ =	shalt  }
0x6b: {  	_ =	shalt  }
0x6c: {  	_ =	shalt  }
0x6d: {  	_ =	shalt  }
0x6e: {  	_ =	shalt  }
0x6f: {  	_ =	shalt  }
0x70: {  	_ =	shalt  }
0x71: {  	_ =	shalt  }
0x72: {  	_ =	shalt  }
0x73: {  	_ =	shalt  }
0x74: {  	_ =	shalt  }
0x75: {  	_ =	shalt  }
0x76: {  	_ =	shalt  }
0x77: {  	_ =	shalt  }
0x78: {  	_ =	shalt  }
0x79: {  	_ =	shalt  }
0x7a: {  	_ =	shalt  }
0x7b: {  	_ =	shalt  }
0x7c: {  	_ =	shalt  }
0x7d: {  	_ =	shalt  }
0x7e: {  	_ =	shalt  }
0x7f: {  	_ =	shalt  }
0x80: {  	_ =	shalt  }
0x81: {  	_ =	shalt  }
0x82: {  	_ =	shalt  }
0x83: {  	_ =	shalt  }
0x84: {  	_ =	shalt  }
0x85: {  	_ =	shalt  }
0x86: {  	_ =	shalt  }
0x87: {  	_ =	shalt  }
.Lfunc_end0:
.L_simem_size_0:
called_computation_lowered:
.L_overlay_start_0:
0x88: {  	s2 =	sld [smem:$0x3FD9]  }
0x89: {  	s3 =	sld [smem:$0x3FFE];
	_ =	sdelay $0x1  }
0x8a: {  	s1 =	srdreg.scid  }
0x8b: {  	s0 =	sand.u32 $0x1, s1  }
0x8c: {  	s17 =	sshll.u32 s0, $0xA;
	s2 =	sadd.s32 s3, s2  }
0x8d: {  	s2 =	sadd.s32 s2, s17  }
0x8e: {  	[smem:$0x3FC2] =	sst s2  }
0x8f: {  	_ = 	snop  }
0x90: {  	s2 =	sld [smem:$0x3FC9]  }
0x91: {  	s18 =	sld [smem:$0x3FC8]  }
0x92: {  	s4 =	sld [smem:$0x3FD0];
	(tm) =	ssettm $0x1  }
0x93: {  	s5 =	sld [smem:$0x3FFB];
	_ =	sdelay $0x3  }
0x94: {  	_ =	strace s5  }
0x95: {  	s5 =	sld [smem:$0x3FFC];
	_ =	sdelay $0x3  }
0x96: {  	_ =	strace s5  }
0x97: {  	s5 =	sld [smem:$0x3FFD];
	_ =	sdelay $0x3  }
0x98: {  	_ =	strace s5  }
0x99: {  	_ =	strace $0x8FFFFFFF  }
0x9a: {  	s19 =	sld [smem:$0x3FDB];
	_ =	sdelay $0x1  }
0x9b: {  	s6 =	simm.s32 $_scs_section_size  }
0x9c: {  	s7 =	simm.s32 $_size__tile_overlayer_lowered;
	s8 =	simm.s32 $_tile_overlayer_lowered  }
0x9d: {  	s22 =	simm.s32 $0x1BFF;
	s21 =	sshll.u32 s8, $0x1;
	s5 =	sadd.s32 s6, s19  }
0x9e: {  	s9 =	simm.s32 $0x0;
	s20 =	sshll.u32 s7, $0x1;
	s7 =	sadd.s32 s21, s5  }
0x9f: {  	[timem:s9], [sflag:s22] =	dma.local [hbm:s7], s20  }
0xa0: {  	_ =	swait.ge [sflag:s22], s20  }
0xa1: {  	s6 =	ssub.s32 $0x0, s20;
	[sflag:s22] =	ssyncset.done $0x0  }
0xa2: {  	[sflag:s22] =	ssyncadd.s32 s6;
	_ =	sdelay $0x1  }
0xa3: {  	s23 =	simm.s32 $0x1B8B  }
0xa4: {  	_ =	swait.ge [sflag:s23], $0x1  }
0xa5: {  	[sflag:s23] =	ssyncset.done $0x0  }
0xa6: {  	s25 =	simm.s32 $0x1B8E;
	s24 =	sld [smem:$0x3FFE];
	[sflag:s23] =	ssyncadd.s32 $0xFFFFFFFF  }
0xa7: {  	s26 =	simm.s32 $execute0_lowered;
	[smem:$0x3FD2] =	sst s25  }
0xa8: {  	s7 =	sshll.u32 s26, $0x1;
	_ =	strace $0x80000046;
	[dreg:$0x1] =	wrdreg $0xFFFFFFFF  }
0xa9: {  	s28 =	simm.s32 $_size_execute0_lowered;
	s5 =	sadd.s32 s5, s7;
	[dreg:$0x0] =	wrdreg $0x0  }
0xaa: {  	s7 =	sshll.u32 s28, $0x1;
	[dreg:$0x2] =	wrdreg s5  }
0xab: {  	[dreg:$0x3] =	wrdreg s7  }
0xac: {  	[dreg:$0x4] =	wrdreg $0xC0  }
0xad: {  	_ =	task [dreg:s9], $0x5FFFF  }
0xae: {  	[dreg:$0x1] =	wrdreg $0xFFFFFFFF  }
0xaf: {  	[dreg:$0x0] =	wrdreg $0x60  }
0xb0: {  	[dreg:$0x2] =	wrdreg s2  }
0xb1: {  	[dreg:$0x3] =	wrdreg s18  }
0xb2: {  	[dreg:$0x4] =	wrdreg s4  }
0xb3: {  	[dreg:$0x5] =	wrdreg s24  }
0xb4: {  	[dreg:$0x6] =	wrdreg $0x9  }
0xb5: {  	_ =	task.clear_ibuf [dreg:s9], $0x7FFFF;
	_ =	strace $0x90000046  }
0xb6: {  	s29 =	simm.s32 $0x9;
	_ =	strace $0x80000048  }
0xb7: {  	_ =	swait.ge [sflag:s29], $0x1  }
0xb8: {  	[sflag:s29] =	ssyncadd.s32 $0xFFFFFFFF  }
0xb9: {  	_ =	strace $0x90000048  }
0xba: {  	_ =	sfence  }
0xbb: {  	s30 =	sld [smem:$0x0];
	_ =	sdelay $0x2  }
0xbc: {  	s31 =	sshll.u32 s1, $0xD;
	s1 =	sshrl.u32 s1, $0x2  }
0xbd: {  	s3 =	sand.u32 $0x4000, s31;
	s1 =	sadd.s32 s1, s30  }
0xbe: {  	s0 =	sor.u32 s3, s0;
	s1 =	sshll.u32 s1, $0x11  }
0xbf: {  	s0 =	sor.u32 s1, s0  }
0xc0: {  	s0 =	sadd.s32 $0x8F2B, s0  }
0xc1: {  	[sflag:s0] =	ssyncadd.remote.s32 $0x1  }
0xc2: {  	_ =	sfence.sel $0xFFFF  }
0xc3: {  	[dreg:$0x0] =	wrdreg $0xFFFFFFFF;
	(pc) =	sbr.abs _section_cstart, $3  }
0xc4: {  	[dreg:$0x1] =	wrdreg $0xFFFFFFFF  }
0xc5: {  	_ =	task.clear_ibuf [dreg:s9], $0x2FFFF;
	_ =	strace $0x9FFFFFFF  }
0xc6: {  	(tm) =	ssettm $0x7FFFFFFF  }
0xc7: {  	_ =	shalt  }
tec
execute0_lowered:
.L_overlay_start_1:
0x0: {  	(tag) =	ssettag $0x1  }
0x1: {  	s1 =	srdreg.scid  }
0x2: {  	s4 =	rddreg [dreg:$0x0];
	s0 =	stileid.u32;
	s1 =	sand.u32 $0x1, s1  }
0x3: {  	s3 =	rddreg [dreg:$0x1];
	s5 =	sshll.u32 s0, $0xA;
	s6 =	sshll.u32 s1, $0x9  }
0x4: {  	s25 =	rddreg [dreg:$0x2];
	s24 =	sor.u32 s6, s5  }
0x5: {  	s23 =	rddreg [dreg:$0x3];
	s2 =	simm.s32 $0x0;
	s5 =	sshrl.u32 s24, $0x3  }
0x6: {  	[smem:$0x7FF] =	sst s2;
	s3 =	sadd.s32 s3, s5  }
0x7: {  	_ =	strace $0x80000047;
	[dreg:$0x5] =	wrdreg s3  }
0x8: {  	s3 =	simm.s32 $0x5;
	s22 =	rddreg [dreg:$0x5]  }
0x9: {  	[tilespmem:s2], [sflag:$0x5] =	stream.linear.gather [hbm4b:s22+s2], $0x200, $0x38;
	[tilespmem:$0x10400] =	vst v63  }
0xa: {  	_ =	swait.ge [sflag:s3], $0x200  }
0xb: {  	[sflag:s3] =	ssyncset.done $0x0  }
0xc: {  	s4 =	sadd.s32 s4, s5;
	s5 =	simm.s32 $0x200;
	[sflag:s3] =	ssyncadd.s32 $0xFFFFFE00  }
0xd: {  	[tilespmem:s5], [sflag:$0x5] =	stream.linear.gather [hbm4b:s4+s2], $0x200, $0x38;
	[tilespmem:$0x10400] =	vst v63  }
0xe: {  	_ =	swait.ge [sflag:s3], $0x200  }
0xf: {  	s7 =	simm.s32 $0x100;
	[sflag:s3] =	ssyncset.done $0x0  }
0x10: {  	s8 =	simm.s32 $0x400;
	s6 =	sadd.s32 $0x188E00, s23;
	[sflag:s3] =	ssyncadd.s32 $0xFFFFFE00  }
0x11: {  	[tilespmem:s8], [sflag:$0x1] =	stream.indirect.gather [hbm4b:s6+s7], $0x40, s2, s7, $0xb8;
	[tilespmem:$0x10400] =	vst v63  }
0x12: {  	s10 =	simm.s32 $0x4400;
	s9 =	sadd.s32 $0x24C400, s23;
	s13 =	sshll.u32 s24, $0x3  }
0x13: {  	[tilespmem:s10], [sflag:$0x2] =	stream.indirect.gather [hbm4b:s9+s7], $0x40, s5, s7, $0xb8;
	[tilespmem:$0x10400] =	vst v63  }
0x14: {  	s12 =	simm.s32 $0x8400;
	s26 =	sadd.s32 $0x2400, s23;
	s11 =	sadd.s32 s25, s13  }
0x15: {  	[tilespmem:s12], [sflag:$0x3] =	stream.linear.gather [hbm4b:s11+s2], $0x4000, $0x38;
	[tilespmem:$0x10400] =	vst v63  }
0x16: {  	s14 =	simm.s32 $0xC400;
	s15 =	simm.s32 $0x1;
	s13 =	sadd.s32 s26, s13  }
0x17: {  	[tilespmem:s14], [sflag:$0x4] =	stream.linear.gather [hbm4b:s13+s2], $0x4000, $0x38;
	[tilespmem:$0x10400] =	vst v63  }
0x18: {  	_ =	swait.ge [sflag:s15], $0x4000  }
0x19: {  	s28 =	sadd.s32 $0x22400, s23;
	s29 =	sshll.u32 s24, $0x5;
	[sflag:s15] =	ssyncset.done $0x0  }
0x1a: {  	s17 =	simm.s32 $0x40;
	s16 =	sadd.s32 s28, s29;
	[sflag:s15] =	ssyncadd.s32 $0xFFFFC000  }
0x1b: {  	[hbm4b:s16+s17] =	stream.strided.scatter [tilespmem:s8], [sflag:$0x5], $0x4000, s7, s17, $0x38;
	[tilespmem:$0x10400] =	vst v63  }
0x1c: {  	_ =	swait.ge [sflag:s3], $0x4000  }
0x1d: {  	[sflag:s3] =	ssyncset.done $0x0  }
0x1e: {  	s18 =	simm.s32 $0x3;
	[sflag:s3] =	ssyncadd.s32 $0xFFFFC000  }
0x1f: {  	_ =	swait.ge [sflag:s18], $0x4000  }
0x20: {  	s30 =	sadd.s32 $0x22408, s23;
	[sflag:s18] =	ssyncset.done $0x0  }
0x21: {  	s19 =	sadd.s32 s29, s30;
	[sflag:s18] =	ssyncadd.s32 $0xFFFFC000  }
0x22: {  	[hbm4b:s19+s17] =	stream.strided.scatter [tilespmem:s12], [sflag:$0x5], $0x4000, s7, s17, $0x38;
	[tilespmem:$0x10400] =	vst v63  }
0x23: {  	_ =	swait.ge [sflag:s3], $0x4000  }
0x24: {  	[sflag:s3] =	ssyncset.done $0x0  }
0x25: {  	s20 =	simm.s32 $0x2;
	[sflag:s3] =	ssyncadd.s32 $0xFFFFC000  }
0x26: {  	_ =	swait.ge [sflag:s20], $0x4000  }
0x27: {  	s31 =	sadd.s32 $0x22410, s23;
	[sflag:s20] =	ssyncset.done $0x0  }
0x28: {  	s21 =	sadd.s32 s29, s31;
	[sflag:s20] =	ssyncadd.s32 $0xFFFFC000  }
0x29: {  	[hbm4b:s21+s17] =	stream.strided.scatter [tilespmem:s10], [sflag:$0x5], $0x4000, s7, s17, $0x38;
	[tilespmem:$0x10400] =	vst v63  }
0x2a: {  	_ =	swait.ge [sflag:s3], $0x4000  }
0x2b: {  	[sflag:s3] =	ssyncset.done $0x0  }
0x2c: {  	s22 =	simm.s32 $0x4;
	[sflag:s3] =	ssyncadd.s32 $0xFFFFC000  }
0x2d: {  	_ =	swait.ge [sflag:s22], $0x4000  }
0x2e: {  	s23 =	sadd.s32 $0x22418, s23;
	[sflag:s22] =	ssyncset.done $0x0  }
0x2f: {  	[dreg:$0x6] =	wrdreg s23;
	s23 =	sadd.s32 s29, s23;
	[sflag:s22] =	ssyncadd.s32 $0xFFFFC000  }
0x30: {  	[hbm4b:s23+s17] =	stream.strided.scatter [tilespmem:s14], [sflag:$0x5], $0x4000, s7, s17, $0x38;
	[tilespmem:$0x10400] =	vst v63  }
0x31: {  	_ =	swait.ge [sflag:s3], $0x4000  }
0x32: {  	[sflag:s3] =	ssyncset.done $0x0  }
0x33: {  	s29 =	sor.u32 $0x100, s24;
	[sflag:s3] =	ssyncadd.s32 $0xFFFFC000  }
0x34: {  	[tilespmem:s8], [sflag:$0x1] =	stream.indirect.gather [hbm4b:s6+s7], $0x40, s7, s7, $0xb8;
	[tilespmem:$0x10400] =	vst v63  }
0x35: {  	s24 =	simm.s32 $0x300;
	s0 =	sshll.u32 s29, $0x3  }
0x36: {  	[tilespmem:s10], [sflag:$0x2] =	stream.indirect.gather [hbm4b:s9+s7], $0x40, s24, s7, $0xb8;
	[tilespmem:$0x10400] =	vst v63  }
0x37: {  	s25 =	sadd.s32 s25, s0  }
0x38: {  	[tilespmem:s12], [sflag:$0x3] =	stream.linear.gather [hbm4b:s25+s2], $0x4000, $0x38;
	[tilespmem:$0x10400] =	vst v63  }
0x39: {  	s26 =	sadd.s32 s26, s0  }
0x3a: {  	[tilespmem:s14], [sflag:$0x4] =	stream.linear.gather [hbm4b:s26+s2], $0x4000, $0x38;
	[tilespmem:$0x10400] =	vst v63  }
0x3b: {  	_ =	swait.ge [sflag:s15], $0x4000  }
0x3c: {  	s0 =	sshll.u32 s29, $0x5;
	[sflag:s15] =	ssyncset.done $0x0  }
0x3d: {  	s28 =	sadd.s32 s28, s0;
	[sflag:s15] =	ssyncadd.s32 $0xFFFFC000  }
0x3e: {  	[hbm4b:s28+s17] =	stream.strided.scatter [tilespmem:s8], [sflag:$0x5], $0x4000, s7, s17, $0x38;
	[tilespmem:$0x10400] =	vst v63  }
0x3f: {  	_ =	swait.ge [sflag:s3], $0x4000  }
0x40: {  	[sflag:s3] =	ssyncset.done $0x0  }
0x41: {  	[sflag:s3] =	ssyncadd.s32 $0xFFFFC000  }
0x42: {  	_ =	swait.ge [sflag:s18], $0x4000  }
0x43: {  	[sflag:s18] =	ssyncset.done $0x0  }
0x44: {  	s29 =	sadd.s32 s0, s30;
	[sflag:s18] =	ssyncadd.s32 $0xFFFFC000  }
0x45: {  	[hbm4b:s29+s17] =	stream.strided.scatter [tilespmem:s12], [sflag:$0x5], $0x4000, s7, s17, $0x38;
	[tilespmem:$0x10400] =	vst v63  }
0x46: {  	_ =	swait.ge [sflag:s3], $0x4000  }
0x47: {  	[sflag:s3] =	ssyncset.done $0x0  }
0x48: {  	[sflag:s3] =	ssyncadd.s32 $0xFFFFC000  }
0x49: {  	_ =	swait.ge [sflag:s20], $0x4000  }
0x4a: {  	s30 =	sadd.s32 s0, s31;
	s31 =	ssub.s32 $0x2, s1;
	[sflag:s20] =	ssyncset.done $0x0  }
0x4b: {  	s1 =	sshrl.u32 s31, $0x1;
	[sflag:s20] =	ssyncadd.s32 $0xFFFFC000  }
0x4c: {  	[hbm4b:s30+s17] =	stream.strided.scatter [tilespmem:s10], [sflag:$0x5], $0x4000, s7, s17, $0x38;
	[tilespmem:$0x10400] =	vst v63  }
0x4d: {  	s1 =	ssub.s32 s31, s1;
	_ =	swait.ge [sflag:s3], $0x4000  }
0x4e: {  	s1 =	smax.u32 s1, $0x1;
	[sflag:s3] =	ssyncset.done $0x0  }
0x4f: {  	p0 =	sne.s32 s1, $0x1;
	[sflag:s3] =	ssyncadd.s32 $0xFFFFC000  }
.Ltmp0:
0x50: {  	_ =	swait.ge [sflag:s22], $0x4000;
	(pc) =	sbr.rel @!p0 .LBB2_2-.Ltmp0, $4  }
0x51: {  	[sflag:s22] =	ssyncset.done $0x0;
	s31 =	rddreg [dreg:$0x6]  }
0x52: {  	s31 =	sadd.s32 s0, s31;
	[sflag:s22] =	ssyncadd.s32 $0xFFFFC000  }
0x53: {  	[hbm4b:s31+s17] =	stream.strided.scatter [tilespmem:s14], [sflag:$0x5], $0x4000, s7, s17, $0x38;
	[tilespmem:$0x10400] =	vst v63  }
0x54: {  	s1 =	sadd.s32 $0xFFFFFFFF, s1;
	_ =	swait.ge [sflag:s3], $0x4000  }
.LBB2_1:
0x55: {  	[sflag:s3] =	ssyncset.done $0x0  }
0x56: {  	s0 =	rddreg [dreg:$0x5];
	[sflag:s3] =	ssyncadd.s32 $0xFFFFC000  }
0x57: {  	[tilespmem:s2], [sflag:$0x5] =	stream.linear.gather [hbm4b:s0+s2], $0x200, $0x38;
	[tilespmem:$0x10400] =	vst v63  }
0x58: {  	_ =	swait.ge [sflag:s3], $0x200  }
0x59: {  	[sflag:s3] =	ssyncset.done $0x0  }
0x5a: {  	[sflag:s3] =	ssyncadd.s32 $0xFFFFFE00  }
0x5b: {  	[tilespmem:s5], [sflag:$0x5] =	stream.linear.gather [hbm4b:s4+s2], $0x200, $0x38;
	[tilespmem:$0x10400] =	vst v63  }
0x5c: {  	_ =	swait.ge [sflag:s3], $0x200  }
0x5d: {  	[sflag:s3] =	ssyncset.done $0x0  }
0x5e: {  	[sflag:s3] =	ssyncadd.s32 $0xFFFFFE00  }
0x5f: {  	[tilespmem:s8], [sflag:$0x1] =	stream.indirect.gather [hbm4b:s6+s7], $0x40, s2, s7, $0xb8;
	[tilespmem:$0x10400] =	vst v63  }
0x60: {  	_ = 	snop  }
0x61: {  	[tilespmem:s10], [sflag:$0x2] =	stream.indirect.gather [hbm4b:s9+s7], $0x40, s5, s7, $0xb8;
	[tilespmem:$0x10400] =	vst v63  }
0x62: {  	_ = 	snop  }
0x63: {  	[tilespmem:s12], [sflag:$0x3] =	stream.linear.gather [hbm4b:s11+s2], $0x4000, $0x38;
	[tilespmem:$0x10400] =	vst v63  }
0x64: {  	_ = 	snop  }
0x65: {  	[tilespmem:s14], [sflag:$0x4] =	stream.linear.gather [hbm4b:s13+s2], $0x4000, $0x38;
	[tilespmem:$0x10400] =	vst v63  }
0x66: {  	_ =	swait.ge [sflag:s15], $0x4000  }
0x67: {  	[sflag:s15] =	ssyncset.done $0x0  }
0x68: {  	[sflag:s15] =	ssyncadd.s32 $0xFFFFC000  }
0x69: {  	[hbm4b:s16+s17] =	stream.strided.scatter [tilespmem:s8], [sflag:$0x5], $0x4000, s7, s17, $0x38;
	[tilespmem:$0x10400] =	vst v63  }
0x6a: {  	_ =	swait.ge [sflag:s3], $0x4000  }
0x6b: {  	[sflag:s3] =	ssyncset.done $0x0  }
0x6c: {  	[sflag:s3] =	ssyncadd.s32 $0xFFFFC000  }
0x6d: {  	_ =	swait.ge [sflag:s18], $0x4000  }
0x6e: {  	[sflag:s18] =	ssyncset.done $0x0  }
0x6f: {  	[sflag:s18] =	ssyncadd.s32 $0xFFFFC000  }
0x70: {  	[hbm4b:s19+s17] =	stream.strided.scatter [tilespmem:s12], [sflag:$0x5], $0x4000, s7, s17, $0x38;
	[tilespmem:$0x10400] =	vst v63  }
0x71: {  	_ =	swait.ge [sflag:s3], $0x4000  }
0x72: {  	[sflag:s3] =	ssyncset.done $0x0  }
0x73: {  	[sflag:s3] =	ssyncadd.s32 $0xFFFFC000  }
0x74: {  	_ =	swait.ge [sflag:s20], $0x4000  }
0x75: {  	[sflag:s20] =	ssyncset.done $0x0  }
0x76: {  	[sflag:s20] =	ssyncadd.s32 $0xFFFFC000  }
0x77: {  	[hbm4b:s21+s17] =	stream.strided.scatter [tilespmem:s10], [sflag:$0x5], $0x4000, s7, s17, $0x38;
	[tilespmem:$0x10400] =	vst v63  }
0x78: {  	_ =	swait.ge [sflag:s3], $0x4000  }
0x79: {  	[sflag:s3] =	ssyncset.done $0x0  }
0x7a: {  	[sflag:s3] =	ssyncadd.s32 $0xFFFFC000  }
0x7b: {  	_ =	swait.ge [sflag:s22], $0x4000  }
0x7c: {  	[sflag:s22] =	ssyncset.done $0x0  }
0x7d: {  	[sflag:s22] =	ssyncadd.s32 $0xFFFFC000  }
0x7e: {  	[hbm4b:s23+s17] =	stream.strided.scatter [tilespmem:s14], [sflag:$0x5], $0x4000, s7, s17, $0x38;
	[tilespmem:$0x10400] =	vst v63  }
0x7f: {  	_ =	swait.ge [sflag:s3], $0x4000  }
0x80: {  	[sflag:s3] =	ssyncset.done $0x0  }
0x81: {  	[sflag:s3] =	ssyncadd.s32 $0xFFFFC000  }
0x82: {  	[tilespmem:s8], [sflag:$0x1] =	stream.indirect.gather [hbm4b:s6+s7], $0x40, s7, s7, $0xb8;
	[tilespmem:$0x10400] =	vst v63  }
0x83: {  	_ = 	snop  }
0x84: {  	[tilespmem:s10], [sflag:$0x2] =	stream.indirect.gather [hbm4b:s9+s7], $0x40, s24, s7, $0xb8;
	[tilespmem:$0x10400] =	vst v63  }
0x85: {  	_ = 	snop  }
0x86: {  	[tilespmem:s12], [sflag:$0x3] =	stream.linear.gather [hbm4b:s25+s2], $0x4000, $0x38;
	[tilespmem:$0x10400] =	vst v63  }
0x87: {  	_ = 	snop  }
0x88: {  	[tilespmem:s14], [sflag:$0x4] =	stream.linear.gather [hbm4b:s26+s2], $0x4000, $0x38;
	[tilespmem:$0x10400] =	vst v63  }
0x89: {  	_ =	swait.ge [sflag:s15], $0x4000  }
0x8a: {  	[sflag:s15] =	ssyncset.done $0x0  }
0x8b: {  	[sflag:s15] =	ssyncadd.s32 $0xFFFFC000  }
0x8c: {  	[hbm4b:s28+s17] =	stream.strided.scatter [tilespmem:s8], [sflag:$0x5], $0x4000, s7, s17, $0x38;
	[tilespmem:$0x10400] =	vst v63  }
0x8d: {  	_ =	swait.ge [sflag:s3], $0x4000  }
0x8e: {  	[sflag:s3] =	ssyncset.done $0x0  }
0x8f: {  	[sflag:s3] =	ssyncadd.s32 $0xFFFFC000  }
0x90: {  	_ =	swait.ge [sflag:s18], $0x4000  }
0x91: {  	[sflag:s18] =	ssyncset.done $0x0  }
0x92: {  	[sflag:s18] =	ssyncadd.s32 $0xFFFFC000  }
0x93: {  	[hbm4b:s29+s17] =	stream.strided.scatter [tilespmem:s12], [sflag:$0x5], $0x4000, s7, s17, $0x38;
	[tilespmem:$0x10400] =	vst v63  }
0x94: {  	_ =	swait.ge [sflag:s3], $0x4000  }
0x95: {  	[sflag:s3] =	ssyncset.done $0x0  }
0x96: {  	[sflag:s3] =	ssyncadd.s32 $0xFFFFC000  }
0x97: {  	_ =	swait.ge [sflag:s20], $0x4000  }
0x98: {  	[sflag:s20] =	ssyncset.done $0x0  }
0x99: {  	[sflag:s20] =	ssyncadd.s32 $0xFFFFC000  }
0x9a: {  	[hbm4b:s30+s17] =	stream.strided.scatter [tilespmem:s10], [sflag:$0x5], $0x4000, s7, s17, $0x38;
	[tilespmem:$0x10400] =	vst v63  }
0x9b: {  	_ =	swait.ge [sflag:s3], $0x4000  }
0x9c: {  	[sflag:s3] =	ssyncset.done $0x0  }
0x9d: {  	p0 =	sne.s32 s1, $0x1;
	[sflag:s3] =	ssyncadd.s32 $0xFFFFC000  }
.Ltmp1:
0x9e: {  	_ =	swait.ge [sflag:s22], $0x4000;
	(pc) =	sbr.rel @p0 .LBB2_1-.Ltmp1, $4  }
0x9f: {  	[sflag:s22] =	ssyncset.done $0x0  }
0xa0: {  	[sflag:s22] =	ssyncadd.s32 $0xFFFFC000  }
0xa1: {  	[hbm4b:s31+s17] =	stream.strided.scatter [tilespmem:s14], [sflag:$0x5], $0x4000, s7, s17, $0x38;
	[tilespmem:$0x10400] =	vst v63  }
0xa2: {  	s1 =	sadd.s32 $0xFFFFFFFF, s1;
	_ =	swait.ge [sflag:s3], $0x4000  }
.LBB2_2:
0xa3: {  	[sflag:s3] =	ssyncset.done $0x0  }
0xa4: {  	[sflag:s3] =	ssyncadd.s32 $0xFFFFC000  }
0xa5: {  	_ =	sfence.sel $0x180000  }
0xa6: {  	[bflag:$0x0] =	sbarrier.arrive $0xFFFF  }
0xa7: {  	_ =	strace $0x90000047  }
0xa8: {  	s0 =	stileid.u32;
	[bflag:$0x2] =	sbarrier.arrive $0xFFFF  }
0xa9: {  	p0 =	sne.s32 s0, $0x0;
	s0 =	rddreg [dreg:$0x4]  }
0xaa: {  	s0 =	sadd.s32 @!p0 $0x100000, s0  }
0xab: {  	[sflag:s0] =	ssyncadd.tile.s32 @!p0 $0x1;
	_ =	shalt  }
.Lfunc_end2:
_tile_overlayer_lowered:
.L_overlay_start_2:
0xac: {  	(tag) =	ssettag $0x2  }
0xad: {  	s0 =	rddreg [dreg:$0x0];
	s2 =	stileid.u32  }
0xae: {  	s1 =	rddreg [dreg:$0x1];
	p0 =	sne.s32 s2, $0x0  }
0xaf: {  	s3 =	rddreg [dreg:$0x2];
	[bflag:$0x3] =	sbarrier.arrive $0xFFFF;
	s2 =	simm.s32 @!p0 $0x1C05  }
0xb0: {  	[timem:s3], [sflag:s2] =	dma.local @!p0 [hbm:s0], s1  }
0xb1: {  	s0 =	simm.s32 @!p0 $0x5  }
0xb2: {  	_ =	swait.ge @!p0 [sflag:s0], s1  }
0xb3: {  	s1 =	ssub.s32 @!p0 $0x0, s1;
	[sflag:s0] =	ssyncset.done @!p0 $0x0  }
0xb4: {  	[sflag:s0] =	ssyncadd.s32 @!p0 s1  }
0xb5: {  	[bflag:$0x3] =	sbarrier.arrive $0xFFFF  }
0xb6: {  	_ =	shalt  }

</sc_bundles>
